<compile_context>
chip_gen: v7x
topology: tpu7x:2x2x1
jax: 0.10.2.dev20260603
libtpu: 0.0.44.dev20260713+nightly
codegen_flags: <defaults>
</compile_context>

<pallas_src>
import jax
import jax.numpy as jnp
from jax import lax
from jax.experimental import pallas as pl
from jax.experimental.pallas import tpu as pltpu
from jax.experimental.pallas import tpu_sc as plsc

_B, _C, _H, _W = 32, 384, 28, 28
_HW = _H * _W
_K = 4
_CG = _C // _K
_S = 24
_NSL = _CG // _S

_B_SC = 16
_B_TC = _B - _B_SC
_NSUB = 32 // _B_SC
_SPS = _NSL // _NSUB

_CH = _S * _HW
_NV = _CH // 16


def _sort4(a, b, c, d):
    lo1 = jnp.minimum(a, b)
    hi1 = jnp.maximum(a, b)
    lo2 = jnp.minimum(c, d)
    hi2 = jnp.maximum(c, d)
    m1 = jnp.minimum(hi1, hi2)
    m2 = jnp.maximum(lo1, lo2)
    return (
        jnp.maximum(hi1, hi2),
        jnp.maximum(m1, m2),
        jnp.minimum(m1, m2),
        jnp.minimum(lo1, lo2),
    )


def _sc_body(x_hbm, out_hbm, b0, b1, b2, b3, sem):
    cid = lax.axis_index("c")
    sid = lax.axis_index("s")
    wid = sid * 2 + cid
    batch = wid // _NSUB
    s0 = (wid % _NSUB) * _SPS
    base = batch * (_C * _HW)
    bufs = (b0, b1, b2, b3)

    for si in range(_SPS):
        offs = [base + (j * _CG + (s0 + si) * _S) * _HW for j in range(_K)]
        cps = [
            pltpu.make_async_copy(x_hbm.at[pl.ds(offs[j], _CH)], bufs[j], sem)
            for j in range(_K)
        ]
        for cp in cps:
            cp.start()
        for cp in cps:
            cp.wait()

        def body(i, carry):
            sl = pl.ds(i * 16, 16)
            r0, r1, r2, r3 = _sort4(b0[sl], b1[sl], b2[sl], b3[sl])
            b0[sl] = r0
            b1[sl] = r1
            b2[sl] = r2
            b3[sl] = r3
            return carry

        lax.fori_loop(0, _NV, body, 0)

        ocps = [
            pltpu.make_async_copy(bufs[j], out_hbm.at[pl.ds(offs[j], _CH)], sem)
            for j in range(_K)
        ]
        for cp in ocps:
            cp.start()
        for cp in ocps:
            cp.wait()


def _sc_sort(x_sc_flat):
    mesh = plsc.VectorSubcoreMesh(core_axis_name="c", subcore_axis_name="s")
    kfn = pl.kernel(
        _sc_body,
        mesh=mesh,
        out_type=jax.ShapeDtypeStruct((_B_SC * _C * _HW,), jnp.float32),
        scratch_types=[pltpu.VMEM((_CH,), jnp.float32) for _ in range(_K)]
        + [pltpu.SemaphoreType.DMA],
    )
    return kfn(x_sc_flat)


def _tc_body(x_ref, o_ref):
    a = x_ref[0, 0 * _CG:1 * _CG]
    b = x_ref[0, 1 * _CG:2 * _CG]
    c = x_ref[0, 2 * _CG:3 * _CG]
    d = x_ref[0, 3 * _CG:4 * _CG]
    r0, r1, r2, r3 = _sort4(a, b, c, d)
    o_ref[0, 0 * _CG:1 * _CG] = r0
    o_ref[0, 1 * _CG:2 * _CG] = r1
    o_ref[0, 2 * _CG:3 * _CG] = r2
    o_ref[0, 3 * _CG:4 * _CG] = r3


def _tc_sort(x):
    return pl.pallas_call(
        _tc_body,
        grid=(_B_TC,),
        in_specs=[
            pl.BlockSpec((1, _C, _H, _W), lambda b: (b, 0, 0, 0)),
        ],
        out_specs=pl.BlockSpec((1, _C, _H, _W), lambda b: (b, 0, 0, 0)),
        out_shape=jax.ShapeDtypeStruct((_B, _C, _H, _W), jnp.float32),
    )(x)


def _merge_body(full_ref, sc_ref, o_ref):
    del full_ref
    o_ref[...] = sc_ref[...]


def _merge_sc(full, sc4d):
    return pl.pallas_call(
        _merge_body,
        grid=(_B_SC,),
        in_specs=[
            pl.BlockSpec(memory_space=pltpu.MemorySpace.HBM),
            pl.BlockSpec((1, _C, _H, _W), lambda b: (b, 0, 0, 0)),
        ],
        out_specs=pl.BlockSpec((1, _C, _H, _W), lambda b: (b + _B_TC, 0, 0, 0)),
        out_shape=jax.ShapeDtypeStruct((_B, _C, _H, _W), jnp.float32),
        input_output_aliases={0: 0},
    )(full, sc4d)


def kernel(x):
    out_tc = _tc_sort(x)
    out_sc = _sc_sort(x[_B_TC:].reshape(-1))
    return _merge_sc(out_tc, out_sc.reshape(_B_SC, _C, _H, _W))

# --- scband reference (transcript-rebuilt; emitter-appended) ---
"""Pipeline reference for scband-top-kfeature-map-22007412425423 (READ-ONLY COPY).

The authoritative reference and input builder live on the scoring server;
editing this copy changes nothing except your own understanding.
"""

import jax, jax.numpy as jnp
import numpy as np


def setup_inputs(seed: int = 0) -> dict:
    key = jax.random.key(seed)
    x = jax.random.normal(key, (32, 384, 28, 28), dtype=jnp.float32)
    return {"x": x}


def reference(x):
    k = 4
    # torch.chunk(x, k, dim=1) -> k pieces of C//k channels; stack on new dim 1
    xx = jnp.stack(jnp.split(x, k, axis=1), axis=1)  # [B, k, C//k, H, W]
    # torch.topk(xx, k, dim=1)[0] with dim-size == k is a full descending sort along dim 1
    top = jnp.flip(jnp.sort(xx, axis=1), axis=1)  # [B, k, C//k, H, W] descending
    # split size-1 slices along dim 1, concat along dim 2, squeeze dim 1
    out = jnp.concatenate(jnp.split(top, k, axis=1), axis=2)  # [B, 1, C, H, W]
    return jnp.squeeze(out, axis=1)  # [B, C, H, W]

if __name__ == "__main__":
    import jax
    _d = setup_inputs()
    print(jax.jit(kernel)(*tuple(_d.values())))

</pallas_src>

<mosaic_0001>
#map = affine_map<(d0, d1) -> (0)>
module attributes {stable_mosaic.version = 14 : i64} {
  func.func @_sc_body(%arg0: i32, %arg1: i32, %arg2: memref<4816896xf32, #tpu.memory_space<hbm>>, %arg3: memref<4816896xf32, #tpu.memory_space<hbm>>, %arg4: memref<18816xf32, #tpu.memory_space<vmem>>, %arg5: memref<18816xf32, #tpu.memory_space<vmem>>, %arg6: memref<18816xf32, #tpu.memory_space<vmem>>, %arg7: memref<18816xf32, #tpu.memory_space<vmem>>, %arg8: memref<!tpu.dma_semaphore, #tpu.memory_space<semaphore_mem>>) attributes {dimension_semantics = [#tpu.dimension_semantics<core_parallel>, #tpu.dimension_semantics<subcore_parallel>], iteration_bounds = array<i64: 2, 16>, scalar_prefetch = 0 : i64, scratch_operands = 5 : i64, tpu.core_type = #tpu.core_type<sc_vector_subcore>, window_params = [{transform_indices = #map}, {transform_indices = #map}]} {
    %mul3A = arith.constant 2 : i32
    %mul3A_0 = arith.muli %arg1, %mul3A : i32
    %add3A = arith.addi %mul3A_0, %arg0 : i32
    %jit3A = arith.constant 2 : i32
    %div3A = arith.divsi %add3A, %jit3A : i32
    %sign3A = arith.constant 0 : i32
    %sign3A_1 = arith.cmpi sgt, %add3A, %sign3A : i32
    %sign3A_2 = arith.extui %sign3A_1 : i1 to i32
    %sign3A_3 = arith.constant 0 : i32
    %sign3A_4 = arith.cmpi slt, %add3A, %sign3A_3 : i32
    %sign3A_5 = arith.extui %sign3A_4 : i1 to i32
    %sign3A_6 = arith.subi %sign3A_2, %sign3A_5 : i32
    %sign3A_7 = arith.constant 0 : i32
    %sign3A_8 = arith.cmpi sgt, %jit3A, %sign3A_7 : i32
    %sign3A_9 = arith.extui %sign3A_8 : i1 to i32
    %sign3A_10 = arith.constant 0 : i32
    %sign3A_11 = arith.cmpi slt, %jit3A, %sign3A_10 : i32
    %sign3A_12 = arith.extui %sign3A_11 : i1 to i32
    %sign3A_13 = arith.subi %sign3A_9, %sign3A_12 : i32
    %ne3A = arith.cmpi ne, %sign3A_6, %sign3A_13 : i32
    %rem3A = arith.remsi %add3A, %jit3A : i32
    %ne3A_14 = arith.constant 0 : i32
    %ne3A_15 = arith.cmpi ne, %rem3A, %ne3A_14 : i32
    %and3A = arith.andi %ne3A, %ne3A_15 : i1
    %sub3A = arith.constant 1 : i32
    %sub3A_16 = arith.subi %div3A, %sub3A : i32
    %select_n3A = arith.select %and3A, %sub3A_16, %div3A : i32
    %jit3A_17 = arith.constant 2 : i32
    %eq3A = arith.constant 0 : i32
    %eq3A_18 = arith.cmpi eq, %jit3A_17, %eq3A : i32
    %jit3A_19 = arith.constant 1 : i32
    %select_n3A_20 = arith.select %eq3A_18, %jit3A_19, %jit3A_17 : i32
    %rem3A_21 = arith.remsi %add3A, %select_n3A_20 : i32
    %ne3A_22 = arith.constant 0 : i32
    %ne3A_23 = arith.cmpi ne, %rem3A_21, %ne3A_22 : i32
    %lt3A = arith.constant 0 : i32
    %lt3A_24 = arith.cmpi slt, %rem3A_21, %lt3A : i32
    %lt3A_25 = arith.constant 0 : i32
    %lt3A_26 = arith.cmpi slt, %select_n3A_20, %lt3A_25 : i32
    %ne3A_27 = arith.xori %lt3A_24, %lt3A_26 : i1
    %and3A_28 = arith.andi %ne3A_27, %ne3A_23 : i1
    %add3A_29 = arith.addi %rem3A_21, %select_n3A_20 : i32
    %select_n3A_30 = arith.select %and3A_28, %add3A_29, %rem3A_21 : i32
    %mul3A_31 = arith.constant 2 : i32
    %mul3A_32 = arith.muli %select_n3A_30, %mul3A_31 : i32
    %mul3A_33 = arith.constant 301056 : i32
    %mul3A_34 = arith.muli %select_n3A, %mul3A_33 : i32
    %add3A_35 = arith.constant 0 : i32
    %add3A_36 = arith.addi %mul3A_32, %add3A_35 : i32
    %mul3A_37 = arith.constant 24 : i32
    %mul3A_38 = arith.muli %add3A_36, %mul3A_37 : i32
    %add3A_39 = arith.constant 0 : i32
    %add3A_40 = arith.addi %add3A_39, %mul3A_38 : i32
    %mul3A_41 = arith.constant 784 : i32
    %mul3A_42 = arith.muli %add3A_40, %mul3A_41 : i32
    %add3A_43 = arith.addi %mul3A_34, %mul3A_42 : i32
    %add3A_44 = arith.constant 0 : i32
    %add3A_45 = arith.addi %mul3A_32, %add3A_44 : i32
    %mul3A_46 = arith.constant 24 : i32
    %mul3A_47 = arith.muli %add3A_45, %mul3A_46 : i32
    %add3A_48 = arith.constant 96 : i32
    %add3A_49 = arith.addi %add3A_48, %mul3A_47 : i32
    %mul3A_50 = arith.constant 784 : i32
    %mul3A_51 = arith.muli %add3A_49, %mul3A_50 : i32
    %add3A_52 = arith.addi %mul3A_34, %mul3A_51 : i32
    %add3A_53 = arith.constant 0 : i32
    %add3A_54 = arith.addi %mul3A_32, %add3A_53 : i32
    %mul3A_55 = arith.constant 24 : i32
    %mul3A_56 = arith.muli %add3A_54, %mul3A_55 : i32
    %add3A_57 = arith.constant 192 : i32
    %add3A_58 = arith.addi %add3A_57, %mul3A_56 : i32
    %mul3A_59 = arith.constant 784 : i32
    %mul3A_60 = arith.muli %add3A_58, %mul3A_59 : i32
    %add3A_61 = arith.addi %mul3A_34, %mul3A_60 : i32
    %add3A_62 = arith.constant 0 : i32
    %add3A_63 = arith.addi %mul3A_32, %add3A_62 : i32
    %mul3A_64 = arith.constant 24 : i32
    %mul3A_65 = arith.muli %add3A_63, %mul3A_64 : i32
    %add3A_66 = arith.constant 288 : i32
    %add3A_67 = arith.addi %add3A_66, %mul3A_65 : i32
    %mul3A_68 = arith.constant 784 : i32
    %mul3A_69 = arith.muli %add3A_67, %mul3A_68 : i32
    %add3A_70 = arith.addi %mul3A_34, %mul3A_69 : i32
    %dma_start3A = tpu.memref_slice %arg2[%add3A_43] : memref<4816896xf32, #tpu.memory_space<hbm>> -> memref<18816xf32, #tpu.memory_space<hbm>>
    %dma_start3A_71 = tpu.memref_slice %arg2[%add3A_43] : memref<4816896xf32, #tpu.memory_space<hbm>> -> memref<18816xf32, #tpu.memory_space<hbm>>
    tpu.enqueue_dma source(%dma_start3A_71 : memref<18816xf32, #tpu.memory_space<hbm>>) target(%arg4 : memref<18816xf32, #tpu.memory_space<vmem>>) target_semaphore(%arg8 : memref<!tpu.dma_semaphore, #tpu.memory_space<semaphore_mem>>)
    %dma_start3A_72 = tpu.memref_slice %arg2[%add3A_52] : memref<4816896xf32, #tpu.memory_space<hbm>> -> memref<18816xf32, #tpu.memory_space<hbm>>
    %dma_start3A_73 = tpu.memref_slice %arg2[%add3A_52] : memref<4816896xf32, #tpu.memory_space<hbm>> -> memref<18816xf32, #tpu.memory_space<hbm>>
    tpu.enqueue_dma source(%dma_start3A_73 : memref<18816xf32, #tpu.memory_space<hbm>>) target(%arg5 : memref<18816xf32, #tpu.memory_space<vmem>>) target_semaphore(%arg8 : memref<!tpu.dma_semaphore, #tpu.memory_space<semaphore_mem>>)
    %dma_start3A_74 = tpu.memref_slice %arg2[%add3A_61] : memref<4816896xf32, #tpu.memory_space<hbm>> -> memref<18816xf32, #tpu.memory_space<hbm>>
    %dma_start3A_75 = tpu.memref_slice %arg2[%add3A_61] : memref<4816896xf32, #tpu.memory_space<hbm>> -> memref<18816xf32, #tpu.memory_space<hbm>>
    tpu.enqueue_dma source(%dma_start3A_75 : memref<18816xf32, #tpu.memory_space<hbm>>) target(%arg6 : memref<18816xf32, #tpu.memory_space<vmem>>) target_semaphore(%arg8 : memref<!tpu.dma_semaphore, #tpu.memory_space<semaphore_mem>>)
    %dma_start3A_76 = tpu.memref_slice %arg2[%add3A_70] : memref<4816896xf32, #tpu.memory_space<hbm>> -> memref<18816xf32, #tpu.memory_space<hbm>>
    %dma_start3A_77 = tpu.memref_slice %arg2[%add3A_70] : memref<4816896xf32, #tpu.memory_space<hbm>> -> memref<18816xf32, #tpu.memory_space<hbm>>
    tpu.enqueue_dma source(%dma_start3A_77 : memref<18816xf32, #tpu.memory_space<hbm>>) target(%arg7 : memref<18816xf32, #tpu.memory_space<vmem>>) target_semaphore(%arg8 : memref<!tpu.dma_semaphore, #tpu.memory_space<semaphore_mem>>)
    %dma_wait3A = tpu.memref_slice %arg2[%add3A_43] : memref<4816896xf32, #tpu.memory_space<hbm>> -> memref<18816xf32, #tpu.memory_space<hbm>>
    %dma_wait3A_78 = tpu.memref_slice %arg2[%add3A_43] : memref<4816896xf32, #tpu.memory_space<hbm>> -> memref<18816xf32, #tpu.memory_space<hbm>>
    tpu.wait_dma2 semaphore(%arg8 : memref<!tpu.dma_semaphore, #tpu.memory_space<semaphore_mem>>) src(%dma_wait3A_78 : memref<18816xf32, #tpu.memory_space<hbm>>) dst(%arg4 : memref<18816xf32, #tpu.memory_space<vmem>>)
    %dma_wait3A_79 = tpu.memref_slice %arg2[%add3A_52] : memref<4816896xf32, #tpu.memory_space<hbm>> -> memref<18816xf32, #tpu.memory_space<hbm>>
    %dma_wait3A_80 = tpu.memref_slice %arg2[%add3A_52] : memref<4816896xf32, #tpu.memory_space<hbm>> -> memref<18816xf32, #tpu.memory_space<hbm>>
    tpu.wait_dma2 semaphore(%arg8 : memref<!tpu.dma_semaphore, #tpu.memory_space<semaphore_mem>>) src(%dma_wait3A_80 : memref<18816xf32, #tpu.memory_space<hbm>>) dst(%arg5 : memref<18816xf32, #tpu.memory_space<vmem>>)
    %dma_wait3A_81 = tpu.memref_slice %arg2[%add3A_61] : memref<4816896xf32, #tpu.memory_space<hbm>> -> memref<18816xf32, #tpu.memory_space<hbm>>
    %dma_wait3A_82 = tpu.memref_slice %arg2[%add3A_61] : memref<4816896xf32, #tpu.memory_space<hbm>> -> memref<18816xf32, #tpu.memory_space<hbm>>
    tpu.wait_dma2 semaphore(%arg8 : memref<!tpu.dma_semaphore, #tpu.memory_space<semaphore_mem>>) src(%dma_wait3A_82 : memref<18816xf32, #tpu.memory_space<hbm>>) dst(%arg6 : memref<18816xf32, #tpu.memory_space<vmem>>)
    %dma_wait3A_83 = tpu.memref_slice %arg2[%add3A_70] : memref<4816896xf32, #tpu.memory_space<hbm>> -> memref<18816xf32, #tpu.memory_space<hbm>>
    %dma_wait3A_84 = tpu.memref_slice %arg2[%add3A_70] : memref<4816896xf32, #tpu.memory_space<hbm>> -> memref<18816xf32, #tpu.memory_space<hbm>>
    tpu.wait_dma2 semaphore(%arg8 : memref<!tpu.dma_semaphore, #tpu.memory_space<semaphore_mem>>) src(%dma_wait3A_84 : memref<18816xf32, #tpu.memory_space<hbm>>) dst(%arg7 : memref<18816xf32, #tpu.memory_space<vmem>>)
    %scan3A = arith.constant 0 : i32
    %scan3A_85 = arith.constant 0 : i32
    %scan3A_86 = arith.constant 1176 : i32
    %scan3A_87 = arith.addi %scan3A_85, %scan3A_86 : i32
    %scan3A_88 = arith.constant 1 : i32
    scf.for %scan3A_180 = %scan3A_85 to %scan3A_87 step %scan3A_88  : i32 {
      %mul3A_181 = arith.constant 16 : i32
      %mul3A_182 = arith.muli %scan3A_180, %mul3A_181 : i32
      %get3A = arith.index_cast %mul3A_182 : i32 to index
      %get3A_183 = tpu.vector_load %arg4[%get3A] {strides = array<i32>} : memref<18816xf32, #tpu.memory_space<vmem>>, vector<16xf32>,
      %get3A_184 = vector.shape_cast %get3A_183 : vector<16xf32> to vector<16xf32>
      %get3A_185 = arith.index_cast %mul3A_182 : i32 to index
      %get3A_186 = tpu.vector_load %arg5[%get3A_185] {strides = array<i32>} : memref<18816xf32, #tpu.memory_space<vmem>>, vector<16xf32>,
      %get3A_187 = vector.shape_cast %get3A_186 : vector<16xf32> to vector<16xf32>
      %get3A_188 = arith.index_cast %mul3A_182 : i32 to index
      %get3A_189 = tpu.vector_load %arg6[%get3A_188] {strides = array<i32>} : memref<18816xf32, #tpu.memory_space<vmem>>, vector<16xf32>,
      %get3A_190 = vector.shape_cast %get3A_189 : vector<16xf32> to vector<16xf32>
      %get3A_191 = arith.index_cast %mul3A_182 : i32 to index
      %get3A_192 = tpu.vector_load %arg7[%get3A_191] {strides = array<i32>} : memref<18816xf32, #tpu.memory_space<vmem>>, vector<16xf32>,
      %get3A_193 = vector.shape_cast %get3A_192 : vector<16xf32> to vector<16xf32>
      %min3A = arith.minimumf %get3A_184, %get3A_187 : vector<16xf32>
      %max3A = arith.maximumf %get3A_184, %get3A_187 : vector<16xf32>
      %min3A_194 = arith.minimumf %get3A_190, %get3A_193 : vector<16xf32>
      %max3A_195 = arith.maximumf %get3A_190, %get3A_193 : vector<16xf32>
      %min3A_196 = arith.minimumf %max3A, %max3A_195 : vector<16xf32>
      %max3A_197 = arith.maximumf %min3A, %min3A_194 : vector<16xf32>
      %max3A_198 = arith.maximumf %max3A, %max3A_195 : vector<16xf32>
      %max3A_199 = arith.maximumf %min3A_196, %max3A_197 : vector<16xf32>
      %min3A_200 = arith.minimumf %min3A_196, %max3A_197 : vector<16xf32>
      %min3A_201 = arith.minimumf %min3A, %min3A_194 : vector<16xf32>
      %swap3A = arith.index_cast %mul3A_182 : i32 to index
      %swap3A_202 = tpu.vector_load %arg4[%swap3A] {strides = array<i32>} : memref<18816xf32, #tpu.memory_space<vmem>>, vector<16xf32>,
      %swap3A_203 = vector.shape_cast %swap3A_202 : vector<16xf32> to vector<16xf32>
      %swap3A_204 = vector.shape_cast %max3A_198 : vector<16xf32> to vector<16xf32>
      tpu.vector_store %arg4[%swap3A], %swap3A_204 {strides = array<i32>} : memref<18816xf32, #tpu.memory_space<vmem>>, vector<16xf32>,
      %swap3A_205 = arith.index_cast %mul3A_182 : i32 to index
      %swap3A_206 = tpu.vector_load %arg5[%swap3A_205] {strides = array<i32>} : memref<18816xf32, #tpu.memory_space<vmem>>, vector<16xf32>,
      %swap3A_207 = vector.shape_cast %swap3A_206 : vector<16xf32> to vector<16xf32>
      %swap3A_208 = vector.shape_cast %max3A_199 : vector<16xf32> to vector<16xf32>
      tpu.vector_store %arg5[%swap3A_205], %swap3A_208 {strides = array<i32>} : memref<18816xf32, #tpu.memory_space<vmem>>, vector<16xf32>,
      %swap3A_209 = arith.index_cast %mul3A_182 : i32 to index
      %swap3A_210 = tpu.vector_load %arg6[%swap3A_209] {strides = array<i32>} : memref<18816xf32, #tpu.memory_space<vmem>>, vector<16xf32>,
      %swap3A_211 = vector.shape_cast %swap3A_210 : vector<16xf32> to vector<16xf32>
      %swap3A_212 = vector.shape_cast %min3A_200 : vector<16xf32> to vector<16xf32>
      tpu.vector_store %arg6[%swap3A_209], %swap3A_212 {strides = array<i32>} : memref<18816xf32, #tpu.memory_space<vmem>>, vector<16xf32>,
      %swap3A_213 = arith.index_cast %mul3A_182 : i32 to index
      %swap3A_214 = tpu.vector_load %arg7[%swap3A_213] {strides = array<i32>} : memref<18816xf32, #tpu.memory_space<vmem>>, vector<16xf32>,
      %swap3A_215 = vector.shape_cast %swap3A_214 : vector<16xf32> to vector<16xf32>
      %swap3A_216 = vector.shape_cast %min3A_201 : vector<16xf32> to vector<16xf32>
      tpu.vector_store %arg7[%swap3A_213], %swap3A_216 {strides = array<i32>} : memref<18816xf32, #tpu.memory_space<vmem>>, vector<16xf32>,
    }
    %scan3A_89 = arith.constant 1176 : i32
    %dma_start3A_90 = tpu.memref_slice %arg3[%add3A_43] : memref<4816896xf32, #tpu.memory_space<hbm>> -> memref<18816xf32, #tpu.memory_space<hbm>>
    %dma_start3A_91 = tpu.memref_slice %arg3[%add3A_43] : memref<4816896xf32, #tpu.memory_space<hbm>> -> memref<18816xf32, #tpu.memory_space<hbm>>
    tpu.enqueue_dma source(%arg4 : memref<18816xf32, #tpu.memory_space<vmem>>) target(%dma_start3A_91 : memref<18816xf32, #tpu.memory_space<hbm>>) target_semaphore(%arg8 : memref<!tpu.dma_semaphore, #tpu.memory_space<semaphore_mem>>)
    %dma_start3A_92 = tpu.memref_slice %arg3[%add3A_52] : memref<4816896xf32, #tpu.memory_space<hbm>> -> memref<18816xf32, #tpu.memory_space<hbm>>
    %dma_start3A_93 = tpu.memref_slice %arg3[%add3A_52] : memref<4816896xf32, #tpu.memory_space<hbm>> -> memref<18816xf32, #tpu.memory_space<hbm>>
    tpu.enqueue_dma source(%arg5 : memref<18816xf32, #tpu.memory_space<vmem>>) target(%dma_start3A_93 : memref<18816xf32, #tpu.memory_space<hbm>>) target_semaphore(%arg8 : memref<!tpu.dma_semaphore, #tpu.memory_space<semaphore_mem>>)
    %dma_start3A_94 = tpu.memref_slice %arg3[%add3A_61] : memref<4816896xf32, #tpu.memory_space<hbm>> -> memref<18816xf32, #tpu.memory_space<hbm>>
    %dma_start3A_95 = tpu.memref_slice %arg3[%add3A_61] : memref<4816896xf32, #tpu.memory_space<hbm>> -> memref<18816xf32, #tpu.memory_space<hbm>>
    tpu.enqueue_dma source(%arg6 : memref<18816xf32, #tpu.memory_space<vmem>>) target(%dma_start3A_95 : memref<18816xf32, #tpu.memory_space<hbm>>) target_semaphore(%arg8 : memref<!tpu.dma_semaphore, #tpu.memory_space<semaphore_mem>>)
    %dma_start3A_96 = tpu.memref_slice %arg3[%add3A_70] : memref<4816896xf32, #tpu.memory_space<hbm>> -> memref<18816xf32, #tpu.memory_space<hbm>>
    %dma_start3A_97 = tpu.memref_slice %arg3[%add3A_70] : memref<4816896xf32, #tpu.memory_space<hbm>> -> memref<18816xf32, #tpu.memory_space<hbm>>
    tpu.enqueue_dma source(%arg7 : memref<18816xf32, #tpu.memory_space<vmem>>) target(%dma_start3A_97 : memref<18816xf32, #tpu.memory_space<hbm>>) target_semaphore(%arg8 : memref<!tpu.dma_semaphore, #tpu.memory_space<semaphore_mem>>)
    %dma_wait3A_98 = tpu.memref_slice %arg3[%add3A_43] : memref<4816896xf32, #tpu.memory_space<hbm>> -> memref<18816xf32, #tpu.memory_space<hbm>>
    %dma_wait3A_99 = tpu.memref_slice %arg3[%add3A_43] : memref<4816896xf32, #tpu.memory_space<hbm>> -> memref<18816xf32, #tpu.memory_space<hbm>>
    tpu.wait_dma2 semaphore(%arg8 : memref<!tpu.dma_semaphore, #tpu.memory_space<semaphore_mem>>) src(%arg4 : memref<18816xf32, #tpu.memory_space<vmem>>) dst(%dma_wait3A_99 : memref<18816xf32, #tpu.memory_space<hbm>>)
    %dma_wait3A_100 = tpu.memref_slice %arg3[%add3A_52] : memref<4816896xf32, #tpu.memory_space<hbm>> -> memref<18816xf32, #tpu.memory_space<hbm>>
    %dma_wait3A_101 = tpu.memref_slice %arg3[%add3A_52] : memref<4816896xf32, #tpu.memory_space<hbm>> -> memref<18816xf32, #tpu.memory_space<hbm>>
    tpu.wait_dma2 semaphore(%arg8 : memref<!tpu.dma_semaphore, #tpu.memory_space<semaphore_mem>>) src(%arg5 : memref<18816xf32, #tpu.memory_space<vmem>>) dst(%dma_wait3A_101 : memref<18816xf32, #tpu.memory_space<hbm>>)
    %dma_wait3A_102 = tpu.memref_slice %arg3[%add3A_61] : memref<4816896xf32, #tpu.memory_space<hbm>> -> memref<18816xf32, #tpu.memory_space<hbm>>
    %dma_wait3A_103 = tpu.memref_slice %arg3[%add3A_61] : memref<4816896xf32, #tpu.memory_space<hbm>> -> memref<18816xf32, #tpu.memory_space<hbm>>
    tpu.wait_dma2 semaphore(%arg8 : memref<!tpu.dma_semaphore, #tpu.memory_space<semaphore_mem>>) src(%arg6 : memref<18816xf32, #tpu.memory_space<vmem>>) dst(%dma_wait3A_103 : memref<18816xf32, #tpu.memory_space<hbm>>)
    %dma_wait3A_104 = tpu.memref_slice %arg3[%add3A_70] : memref<4816896xf32, #tpu.memory_space<hbm>> -> memref<18816xf32, #tpu.memory_space<hbm>>
    %dma_wait3A_105 = tpu.memref_slice %arg3[%add3A_70] : memref<4816896xf32, #tpu.memory_space<hbm>> -> memref<18816xf32, #tpu.memory_space<hbm>>
    tpu.wait_dma2 semaphore(%arg8 : memref<!tpu.dma_semaphore, #tpu.memory_space<semaphore_mem>>) src(%arg7 : memref<18816xf32, #tpu.memory_space<vmem>>) dst(%dma_wait3A_105 : memref<18816xf32, #tpu.memory_space<hbm>>)
    %add3A_106 = arith.constant 1 : i32
    %add3A_107 = arith.addi %mul3A_32, %add3A_106 : i32
    %mul3A_108 = arith.constant 24 : i32
    %mul3A_109 = arith.muli %add3A_107, %mul3A_108 : i32
    %add3A_110 = arith.constant 0 : i32
    %add3A_111 = arith.addi %add3A_110, %mul3A_109 : i32
    %mul3A_112 = arith.constant 784 : i32
    %mul3A_113 = arith.muli %add3A_111, %mul3A_112 : i32
    %add3A_114 = arith.addi %mul3A_34, %mul3A_113 : i32
    %add3A_115 = arith.constant 1 : i32
    %add3A_116 = arith.addi %mul3A_32, %add3A_115 : i32
    %mul3A_117 = arith.constant 24 : i32
    %mul3A_118 = arith.muli %add3A_116, %mul3A_117 : i32
    %add3A_119 = arith.constant 96 : i32
    %add3A_120 = arith.addi %add3A_119, %mul3A_118 : i32
    %mul3A_121 = arith.constant 784 : i32
    %mul3A_122 = arith.muli %add3A_120, %mul3A_121 : i32
    %add3A_123 = arith.addi %mul3A_34, %mul3A_122 : i32
    %add3A_124 = arith.constant 1 : i32
    %add3A_125 = arith.addi %mul3A_32, %add3A_124 : i32
    %mul3A_126 = arith.constant 24 : i32
    %mul3A_127 = arith.muli %add3A_125, %mul3A_126 : i32
    %add3A_128 = arith.constant 192 : i32
    %add3A_129 = arith.addi %add3A_128, %mul3A_127 : i32
    %mul3A_130 = arith.constant 784 : i32
    %mul3A_131 = arith.muli %add3A_129, %mul3A_130 : i32
    %add3A_132 = arith.addi %mul3A_34, %mul3A_131 : i32
    %add3A_133 = arith.constant 1 : i32
    %add3A_134 = arith.addi %mul3A_32, %add3A_133 : i32
    %mul3A_135 = arith.constant 24 : i32
    %mul3A_136 = arith.muli %add3A_134, %mul3A_135 : i32
    %add3A_137 = arith.constant 288 : i32
    %add3A_138 = arith.addi %add3A_137, %mul3A_136 : i32
    %mul3A_139 = arith.constant 784 : i32
    %mul3A_140 = arith.muli %add3A_138, %mul3A_139 : i32
    %add3A_141 = arith.addi %mul3A_34, %mul3A_140 : i32
    %dma_start3A_142 = tpu.memref_slice %arg2[%add3A_114] : memref<4816896xf32, #tpu.memory_space<hbm>> -> memref<18816xf32, #tpu.memory_space<hbm>>
    %dma_start3A_143 = tpu.memref_slice %arg2[%add3A_114] : memref<4816896xf32, #tpu.memory_space<hbm>> -> memref<18816xf32, #tpu.memory_space<hbm>>
    tpu.enqueue_dma source(%dma_start3A_143 : memref<18816xf32, #tpu.memory_space<hbm>>) target(%arg4 : memref<18816xf32, #tpu.memory_space<vmem>>) target_semaphore(%arg8 : memref<!tpu.dma_semaphore, #tpu.memory_space<semaphore_mem>>)
    %dma_start3A_144 = tpu.memref_slice %arg2[%add3A_123] : memref<4816896xf32, #tpu.memory_space<hbm>> -> memref<18816xf32, #tpu.memory_space<hbm>>
    %dma_start3A_145 = tpu.memref_slice %arg2[%add3A_123] : memref<4816896xf32, #tpu.memory_space<hbm>> -> memref<18816xf32, #tpu.memory_space<hbm>>
    tpu.enqueue_dma source(%dma_start3A_145 : memref<18816xf32, #tpu.memory_space<hbm>>) target(%arg5 : memref<18816xf32, #tpu.memory_space<vmem>>) target_semaphore(%arg8 : memref<!tpu.dma_semaphore, #tpu.memory_space<semaphore_mem>>)
    %dma_start3A_146 = tpu.memref_slice %arg2[%add3A_132] : memref<4816896xf32, #tpu.memory_space<hbm>> -> memref<18816xf32, #tpu.memory_space<hbm>>
    %dma_start3A_147 = tpu.memref_slice %arg2[%add3A_132] : memref<4816896xf32, #tpu.memory_space<hbm>> -> memref<18816xf32, #tpu.memory_space<hbm>>
    tpu.enqueue_dma source(%dma_start3A_147 : memref<18816xf32, #tpu.memory_space<hbm>>) target(%arg6 : memref<18816xf32, #tpu.memory_space<vmem>>) target_semaphore(%arg8 : memref<!tpu.dma_semaphore, #tpu.memory_space<semaphore_mem>>)
    %dma_start3A_148 = tpu.memref_slice %arg2[%add3A_141] : memref<4816896xf32, #tpu.memory_space<hbm>> -> memref<18816xf32, #tpu.memory_space<hbm>>
    %dma_start3A_149 = tpu.memref_slice %arg2[%add3A_141] : memref<4816896xf32, #tpu.memory_space<hbm>> -> memref<18816xf32, #tpu.memory_space<hbm>>
    tpu.enqueue_dma source(%dma_start3A_149 : memref<18816xf32, #tpu.memory_space<hbm>>) target(%arg7 : memref<18816xf32, #tpu.memory_space<vmem>>) target_semaphore(%arg8 : memref<!tpu.dma_semaphore, #tpu.memory_space<semaphore_mem>>)
    %dma_wait3A_150 = tpu.memref_slice %arg2[%add3A_114] : memref<4816896xf32, #tpu.memory_space<hbm>> -> memref<18816xf32, #tpu.memory_space<hbm>>
    %dma_wait3A_151 = tpu.memref_slice %arg2[%add3A_114] : memref<4816896xf32, #tpu.memory_space<hbm>> -> memref<18816xf32, #tpu.memory_space<hbm>>
    tpu.wait_dma2 semaphore(%arg8 : memref<!tpu.dma_semaphore, #tpu.memory_space<semaphore_mem>>) src(%dma_wait3A_151 : memref<18816xf32, #tpu.memory_space<hbm>>) dst(%arg4 : memref<18816xf32, #tpu.memory_space<vmem>>)
    %dma_wait3A_152 = tpu.memref_slice %arg2[%add3A_123] : memref<4816896xf32, #tpu.memory_space<hbm>> -> memref<18816xf32, #tpu.memory_space<hbm>>
    %dma_wait3A_153 = tpu.memref_slice %arg2[%add3A_123] : memref<4816896xf32, #tpu.memory_space<hbm>> -> memref<18816xf32, #tpu.memory_space<hbm>>
    tpu.wait_dma2 semaphore(%arg8 : memref<!tpu.dma_semaphore, #tpu.memory_space<semaphore_mem>>) src(%dma_wait3A_153 : memref<18816xf32, #tpu.memory_space<hbm>>) dst(%arg5 : memref<18816xf32, #tpu.memory_space<vmem>>)
    %dma_wait3A_154 = tpu.memref_slice %arg2[%add3A_132] : memref<4816896xf32, #tpu.memory_space<hbm>> -> memref<18816xf32, #tpu.memory_space<hbm>>
    %dma_wait3A_155 = tpu.memref_slice %arg2[%add3A_132] : memref<4816896xf32, #tpu.memory_space<hbm>> -> memref<18816xf32, #tpu.memory_space<hbm>>
    tpu.wait_dma2 semaphore(%arg8 : memref<!tpu.dma_semaphore, #tpu.memory_space<semaphore_mem>>) src(%dma_wait3A_155 : memref<18816xf32, #tpu.memory_space<hbm>>) dst(%arg6 : memref<18816xf32, #tpu.memory_space<vmem>>)
    %dma_wait3A_156 = tpu.memref_slice %arg2[%add3A_141] : memref<4816896xf32, #tpu.memory_space<hbm>> -> memref<18816xf32, #tpu.memory_space<hbm>>
    %dma_wait3A_157 = tpu.memref_slice %arg2[%add3A_141] : memref<4816896xf32, #tpu.memory_space<hbm>> -> memref<18816xf32, #tpu.memory_space<hbm>>
    tpu.wait_dma2 semaphore(%arg8 : memref<!tpu.dma_semaphore, #tpu.memory_space<semaphore_mem>>) src(%dma_wait3A_157 : memref<18816xf32, #tpu.memory_space<hbm>>) dst(%arg7 : memref<18816xf32, #tpu.memory_space<vmem>>)
    %scan3A_158 = arith.constant 0 : i32
    %scan3A_159 = arith.constant 0 : i32
    %scan3A_160 = arith.constant 1176 : i32
    %scan3A_161 = arith.addi %scan3A_159, %scan3A_160 : i32
    %scan3A_162 = arith.constant 1 : i32
    scf.for %scan3A_180 = %scan3A_159 to %scan3A_161 step %scan3A_162  : i32 {
      %mul3A_181 = arith.constant 16 : i32
      %mul3A_182 = arith.muli %scan3A_180, %mul3A_181 : i32
      %get3A = arith.index_cast %mul3A_182 : i32 to index
      %get3A_183 = tpu.vector_load %arg4[%get3A] {strides = array<i32>} : memref<18816xf32, #tpu.memory_space<vmem>>, vector<16xf32>,
      %get3A_184 = vector.shape_cast %get3A_183 : vector<16xf32> to vector<16xf32>
      %get3A_185 = arith.index_cast %mul3A_182 : i32 to index
      %get3A_186 = tpu.vector_load %arg5[%get3A_185] {strides = array<i32>} : memref<18816xf32, #tpu.memory_space<vmem>>, vector<16xf32>,
      %get3A_187 = vector.shape_cast %get3A_186 : vector<16xf32> to vector<16xf32>
      %get3A_188 = arith.index_cast %mul3A_182 : i32 to index
      %get3A_189 = tpu.vector_load %arg6[%get3A_188] {strides = array<i32>} : memref<18816xf32, #tpu.memory_space<vmem>>, vector<16xf32>,
      %get3A_190 = vector.shape_cast %get3A_189 : vector<16xf32> to vector<16xf32>
      %get3A_191 = arith.index_cast %mul3A_182 : i32 to index
      %get3A_192 = tpu.vector_load %arg7[%get3A_191] {strides = array<i32>} : memref<18816xf32, #tpu.memory_space<vmem>>, vector<16xf32>,
      %get3A_193 = vector.shape_cast %get3A_192 : vector<16xf32> to vector<16xf32>
      %min3A = arith.minimumf %get3A_184, %get3A_187 : vector<16xf32>
      %max3A = arith.maximumf %get3A_184, %get3A_187 : vector<16xf32>
      %min3A_194 = arith.minimumf %get3A_190, %get3A_193 : vector<16xf32>
      %max3A_195 = arith.maximumf %get3A_190, %get3A_193 : vector<16xf32>
      %min3A_196 = arith.minimumf %max3A, %max3A_195 : vector<16xf32>
      %max3A_197 = arith.maximumf %min3A, %min3A_194 : vector<16xf32>
      %max3A_198 = arith.maximumf %max3A, %max3A_195 : vector<16xf32>
      %max3A_199 = arith.maximumf %min3A_196, %max3A_197 : vector<16xf32>
      %min3A_200 = arith.minimumf %min3A_196, %max3A_197 : vector<16xf32>
      %min3A_201 = arith.minimumf %min3A, %min3A_194 : vector<16xf32>
      %swap3A = arith.index_cast %mul3A_182 : i32 to index
      %swap3A_202 = tpu.vector_load %arg4[%swap3A] {strides = array<i32>} : memref<18816xf32, #tpu.memory_space<vmem>>, vector<16xf32>,
      %swap3A_203 = vector.shape_cast %swap3A_202 : vector<16xf32> to vector<16xf32>
      %swap3A_204 = vector.shape_cast %max3A_198 : vector<16xf32> to vector<16xf32>
      tpu.vector_store %arg4[%swap3A], %swap3A_204 {strides = array<i32>} : memref<18816xf32, #tpu.memory_space<vmem>>, vector<16xf32>,
      %swap3A_205 = arith.index_cast %mul3A_182 : i32 to index
      %swap3A_206 = tpu.vector_load %arg5[%swap3A_205] {strides = array<i32>} : memref<18816xf32, #tpu.memory_space<vmem>>, vector<16xf32>,
      %swap3A_207 = vector.shape_cast %swap3A_206 : vector<16xf32> to vector<16xf32>
      %swap3A_208 = vector.shape_cast %max3A_199 : vector<16xf32> to vector<16xf32>
      tpu.vector_store %arg5[%swap3A_205], %swap3A_208 {strides = array<i32>} : memref<18816xf32, #tpu.memory_space<vmem>>, vector<16xf32>,
      %swap3A_209 = arith.index_cast %mul3A_182 : i32 to index
      %swap3A_210 = tpu.vector_load %arg6[%swap3A_209] {strides = array<i32>} : memref<18816xf32, #tpu.memory_space<vmem>>, vector<16xf32>,
      %swap3A_211 = vector.shape_cast %swap3A_210 : vector<16xf32> to vector<16xf32>
      %swap3A_212 = vector.shape_cast %min3A_200 : vector<16xf32> to vector<16xf32>
      tpu.vector_store %arg6[%swap3A_209], %swap3A_212 {strides = array<i32>} : memref<18816xf32, #tpu.memory_space<vmem>>, vector<16xf32>,
      %swap3A_213 = arith.index_cast %mul3A_182 : i32 to index
      %swap3A_214 = tpu.vector_load %arg7[%swap3A_213] {strides = array<i32>} : memref<18816xf32, #tpu.memory_space<vmem>>, vector<16xf32>,
      %swap3A_215 = vector.shape_cast %swap3A_214 : vector<16xf32> to vector<16xf32>
      %swap3A_216 = vector.shape_cast %min3A_201 : vector<16xf32> to vector<16xf32>
      tpu.vector_store %arg7[%swap3A_213], %swap3A_216 {strides = array<i32>} : memref<18816xf32, #tpu.memory_space<vmem>>, vector<16xf32>,
    }
    %scan3A_163 = arith.constant 1176 : i32
    %dma_start3A_164 = tpu.memref_slice %arg3[%add3A_114] : memref<4816896xf32, #tpu.memory_space<hbm>> -> memref<18816xf32, #tpu.memory_space<hbm>>
    %dma_start3A_165 = tpu.memref_slice %arg3[%add3A_114] : memref<4816896xf32, #tpu.memory_space<hbm>> -> memref<18816xf32, #tpu.memory_space<hbm>>
    tpu.enqueue_dma source(%arg4 : memref<18816xf32, #tpu.memory_space<vmem>>) target(%dma_start3A_165 : memref<18816xf32, #tpu.memory_space<hbm>>) target_semaphore(%arg8 : memref<!tpu.dma_semaphore, #tpu.memory_space<semaphore_mem>>)
    %dma_start3A_166 = tpu.memref_slice %arg3[%add3A_123] : memref<4816896xf32, #tpu.memory_space<hbm>> -> memref<18816xf32, #tpu.memory_space<hbm>>
    %dma_start3A_167 = tpu.memref_slice %arg3[%add3A_123] : memref<4816896xf32, #tpu.memory_space<hbm>> -> memref<18816xf32, #tpu.memory_space<hbm>>
    tpu.enqueue_dma source(%arg5 : memref<18816xf32, #tpu.memory_space<vmem>>) target(%dma_start3A_167 : memref<18816xf32, #tpu.memory_space<hbm>>) target_semaphore(%arg8 : memref<!tpu.dma_semaphore, #tpu.memory_space<semaphore_mem>>)
    %dma_start3A_168 = tpu.memref_slice %arg3[%add3A_132] : memref<4816896xf32, #tpu.memory_space<hbm>> -> memref<18816xf32, #tpu.memory_space<hbm>>
    %dma_start3A_169 = tpu.memref_slice %arg3[%add3A_132] : memref<4816896xf32, #tpu.memory_space<hbm>> -> memref<18816xf32, #tpu.memory_space<hbm>>
    tpu.enqueue_dma source(%arg6 : memref<18816xf32, #tpu.memory_space<vmem>>) target(%dma_start3A_169 : memref<18816xf32, #tpu.memory_space<hbm>>) target_semaphore(%arg8 : memref<!tpu.dma_semaphore, #tpu.memory_space<semaphore_mem>>)
    %dma_start3A_170 = tpu.memref_slice %arg3[%add3A_141] : memref<4816896xf32, #tpu.memory_space<hbm>> -> memref<18816xf32, #tpu.memory_space<hbm>>
    %dma_start3A_171 = tpu.memref_slice %arg3[%add3A_141] : memref<4816896xf32, #tpu.memory_space<hbm>> -> memref<18816xf32, #tpu.memory_space<hbm>>
    tpu.enqueue_dma source(%arg7 : memref<18816xf32, #tpu.memory_space<vmem>>) target(%dma_start3A_171 : memref<18816xf32, #tpu.memory_space<hbm>>) target_semaphore(%arg8 : memref<!tpu.dma_semaphore, #tpu.memory_space<semaphore_mem>>)
    %dma_wait3A_172 = tpu.memref_slice %arg3[%add3A_114] : memref<4816896xf32, #tpu.memory_space<hbm>> -> memref<18816xf32, #tpu.memory_space<hbm>>
    %dma_wait3A_173 = tpu.memref_slice %arg3[%add3A_114] : memref<4816896xf32, #tpu.memory_space<hbm>> -> memref<18816xf32, #tpu.memory_space<hbm>>
    tpu.wait_dma2 semaphore(%arg8 : memref<!tpu.dma_semaphore, #tpu.memory_space<semaphore_mem>>) src(%arg4 : memref<18816xf32, #tpu.memory_space<vmem>>) dst(%dma_wait3A_173 : memref<18816xf32, #tpu.memory_space<hbm>>)
    %dma_wait3A_174 = tpu.memref_slice %arg3[%add3A_123] : memref<4816896xf32, #tpu.memory_space<hbm>> -> memref<18816xf32, #tpu.memory_space<hbm>>
    %dma_wait3A_175 = tpu.memref_slice %arg3[%add3A_123] : memref<4816896xf32, #tpu.memory_space<hbm>> -> memref<18816xf32, #tpu.memory_space<hbm>>
    tpu.wait_dma2 semaphore(%arg8 : memref<!tpu.dma_semaphore, #tpu.memory_space<semaphore_mem>>) src(%arg5 : memref<18816xf32, #tpu.memory_space<vmem>>) dst(%dma_wait3A_175 : memref<18816xf32, #tpu.memory_space<hbm>>)
    %dma_wait3A_176 = tpu.memref_slice %arg3[%add3A_132] : memref<4816896xf32, #tpu.memory_space<hbm>> -> memref<18816xf32, #tpu.memory_space<hbm>>
    %dma_wait3A_177 = tpu.memref_slice %arg3[%add3A_132] : memref<4816896xf32, #tpu.memory_space<hbm>> -> memref<18816xf32, #tpu.memory_space<hbm>>
    tpu.wait_dma2 semaphore(%arg8 : memref<!tpu.dma_semaphore, #tpu.memory_space<semaphore_mem>>) src(%arg6 : memref<18816xf32, #tpu.memory_space<vmem>>) dst(%dma_wait3A_177 : memref<18816xf32, #tpu.memory_space<hbm>>)
    %dma_wait3A_178 = tpu.memref_slice %arg3[%add3A_141] : memref<4816896xf32, #tpu.memory_space<hbm>> -> memref<18816xf32, #tpu.memory_space<hbm>>
    %dma_wait3A_179 = tpu.memref_slice %arg3[%add3A_141] : memref<4816896xf32, #tpu.memory_space<hbm>> -> memref<18816xf32, #tpu.memory_space<hbm>>
    tpu.wait_dma2 semaphore(%arg8 : memref<!tpu.dma_semaphore, #tpu.memory_space<semaphore_mem>>) src(%arg7 : memref<18816xf32, #tpu.memory_space<vmem>>) dst(%dma_wait3A_179 : memref<18816xf32, #tpu.memory_space<hbm>>)
    return
  }
}

module attributes {stable_mosaic.version = 14 : i64} {
  func.func @_tc_body(%arg0: i32, %arg1: memref<1x384x28x28xf32, #tpu.memory_space<vmem>>, %arg2: memref<1x384x28x28xf32, #tpu.memory_space<vmem>>) attributes {dimension_semantics = [#tpu.dimension_semantics<arbitrary>], iteration_bounds = array<i64: 16>, scalar_prefetch = 0 : i64, scratch_operands = 0 : i64, tpu.core_type = #tpu.core_type<tc>, window_params = [{transform_indices = @transform_0, window_bounds = array<i64: 1, 384, 28, 28>}, {transform_indices = @transform_1, window_bounds = array<i64: 1, 384, 28, 28>}]} {
    %get3A = arith.constant 0 : index
    %get3A_0 = arith.constant 0 : index
    %get3A_1 = arith.constant 0 : index
    %get3A_2 = arith.constant 0 : index
    %get3A_3 = vector.load %arg1[%get3A, %get3A_0, %get3A_1, %get3A_2] : memref<1x384x28x28xf32, #tpu.memory_space<vmem>>, vector<1x96x28x28xf32>
    %get3A_4 = vector.shape_cast %get3A_3 : vector<1x96x28x28xf32> to vector<96x28x28xf32>
    %get3A_5 = arith.constant 0 : index
    %get3A_6 = arith.constant 96 : index
    %get3A_7 = arith.constant 0 : index
    %get3A_8 = arith.constant 0 : index
    %get3A_9 = vector.load %arg1[%get3A_5, %get3A_6, %get3A_7, %get3A_8] : memref<1x384x28x28xf32, #tpu.memory_space<vmem>>, vector<1x96x28x28xf32>
    %get3A_10 = vector.shape_cast %get3A_9 : vector<1x96x28x28xf32> to vector<96x28x28xf32>
    %get3A_11 = arith.constant 0 : index
    %get3A_12 = arith.constant 192 : index
    %get3A_13 = arith.constant 0 : index
    %get3A_14 = arith.constant 0 : index
    %get3A_15 = vector.load %arg1[%get3A_11, %get3A_12, %get3A_13, %get3A_14] : memref<1x384x28x28xf32, #tpu.memory_space<vmem>>, vector<1x96x28x28xf32>
    %get3A_16 = vector.shape_cast %get3A_15 : vector<1x96x28x28xf32> to vector<96x28x28xf32>
    %get3A_17 = arith.constant 0 : index
    %get3A_18 = arith.constant 288 : index
    %get3A_19 = arith.constant 0 : index
    %get3A_20 = arith.constant 0 : index
    %get3A_21 = vector.load %arg1[%get3A_17, %get3A_18, %get3A_19, %get3A_20] : memref<1x384x28x28xf32, #tpu.memory_space<vmem>>, vector<1x96x28x28xf32>
    %get3A_22 = vector.shape_cast %get3A_21 : vector<1x96x28x28xf32> to vector<96x28x28xf32>
    %min3A = arith.minimumf %get3A_4, %get3A_10 : vector<96x28x28xf32>
    %max3A = arith.maximumf %get3A_4, %get3A_10 : vector<96x28x28xf32>
    %min3A_23 = arith.minimumf %get3A_16, %get3A_22 : vector<96x28x28xf32>
    %max3A_24 = arith.maximumf %get3A_16, %get3A_22 : vector<96x28x28xf32>
    %min3A_25 = arith.minimumf %max3A, %max3A_24 : vector<96x28x28xf32>
    %max3A_26 = arith.maximumf %min3A, %min3A_23 : vector<96x28x28xf32>
    %max3A_27 = arith.maximumf %max3A, %max3A_24 : vector<96x28x28xf32>
    %max3A_28 = arith.maximumf %min3A_25, %max3A_26 : vector<96x28x28xf32>
    %min3A_29 = arith.minimumf %min3A_25, %max3A_26 : vector<96x28x28xf32>
    %min3A_30 = arith.minimumf %min3A, %min3A_23 : vector<96x28x28xf32>
    %swap3A = arith.constant 0 : index
    %swap3A_31 = arith.constant 0 : index
    %swap3A_32 = arith.constant 0 : index
    %swap3A_33 = arith.constant 0 : index
    %swap3A_34 = vector.load %arg2[%swap3A, %swap3A_31, %swap3A_32, %swap3A_33] : memref<1x384x28x28xf32, #tpu.memory_space<vmem>>, vector<1x96x28x28xf32>
    %swap3A_35 = vector.shape_cast %swap3A_34 : vector<1x96x28x28xf32> to vector<96x28x28xf32>
    %swap3A_36 = vector.shape_cast %max3A_27 : vector<96x28x28xf32> to vector<1x96x28x28xf32>
    tpu.vector_store %arg2[%swap3A, %swap3A_31, %swap3A_32, %swap3A_33], %swap3A_36 {strides = array<i32>} : memref<1x384x28x28xf32, #tpu.memory_space<vmem>>, vector<1x96x28x28xf32>,
    %swap3A_37 = arith.constant 0 : index
    %swap3A_38 = arith.constant 96 : index
    %swap3A_39 = arith.constant 0 : index
    %swap3A_40 = arith.constant 0 : index
    %swap3A_41 = vector.load %arg2[%swap3A_37, %swap3A_38, %swap3A_39, %swap3A_40] : memref<1x384x28x28xf32, #tpu.memory_space<vmem>>, vector<1x96x28x28xf32>
    %swap3A_42 = vector.shape_cast %swap3A_41 : vector<1x96x28x28xf32> to vector<96x28x28xf32>
    %swap3A_43 = vector.shape_cast %max3A_28 : vector<96x28x28xf32> to vector<1x96x28x28xf32>
    tpu.vector_store %arg2[%swap3A_37, %swap3A_38, %swap3A_39, %swap3A_40], %swap3A_43 {strides = array<i32>} : memref<1x384x28x28xf32, #tpu.memory_space<vmem>>, vector<1x96x28x28xf32>,
    %swap3A_44 = arith.constant 0 : index
    %swap3A_45 = arith.constant 192 : index
    %swap3A_46 = arith.constant 0 : index
    %swap3A_47 = arith.constant 0 : index
    %swap3A_48 = vector.load %arg2[%swap3A_44, %swap3A_45, %swap3A_46, %swap3A_47] : memref<1x384x28x28xf32, #tpu.memory_space<vmem>>, vector<1x96x28x28xf32>
    %swap3A_49 = vector.shape_cast %swap3A_48 : vector<1x96x28x28xf32> to vector<96x28x28xf32>
    %swap3A_50 = vector.shape_cast %min3A_29 : vector<96x28x28xf32> to vector<1x96x28x28xf32>
    tpu.vector_store %arg2[%swap3A_44, %swap3A_45, %swap3A_46, %swap3A_47], %swap3A_50 {strides = array<i32>} : memref<1x384x28x28xf32, #tpu.memory_space<vmem>>, vector<1x96x28x28xf32>,
    %swap3A_51 = arith.constant 0 : index
    %swap3A_52 = arith.constant 288 : index
    %swap3A_53 = arith.constant 0 : index
    %swap3A_54 = arith.constant 0 : index
    %swap3A_55 = vector.load %arg2[%swap3A_51, %swap3A_52, %swap3A_53, %swap3A_54] : memref<1x384x28x28xf32, #tpu.memory_space<vmem>>, vector<1x96x28x28xf32>
    %swap3A_56 = vector.shape_cast %swap3A_55 : vector<1x96x28x28xf32> to vector<96x28x28xf32>
    %swap3A_57 = vector.shape_cast %min3A_30 : vector<96x28x28xf32> to vector<1x96x28x28xf32>
    tpu.vector_store %arg2[%swap3A_51, %swap3A_52, %swap3A_53, %swap3A_54], %swap3A_57 {strides = array<i32>} : memref<1x384x28x28xf32, #tpu.memory_space<vmem>>, vector<1x96x28x28xf32>,
    return
  }
  func.func @transform_0(%arg0: i32) -> (i32, i32, i32, i32) {
    %c0_i32 = arith.constant 0 : i32
    %c0_i32_0 = arith.constant 0 : i32
    %c0_i32_1 = arith.constant 0 : i32
    %c0_i32_2 = arith.constant 0 : i32
    return %arg0, %c0_i32, %c0_i32_0, %c0_i32_1 : i32, i32, i32, i32
  }
  func.func @transform_1(%arg0: i32) -> (i32, i32, i32, i32) {
    %c0_i32 = arith.constant 0 : i32
    %c0_i32_0 = arith.constant 0 : i32
    %c0_i32_1 = arith.constant 0 : i32
    %c0_i32_2 = arith.constant 0 : i32
    return %arg0, %c0_i32, %c0_i32_0, %c0_i32_1 : i32, i32, i32, i32
  }
}

module attributes {stable_mosaic.version = 14 : i64} {
  func.func @_merge_body(%arg0: i32, %arg1: memref<32x384x28x28xf32, #tpu.memory_space<hbm>>, %arg2: memref<1x384x28x28xf32, #tpu.memory_space<vmem>>, %arg3: memref<1x384x28x28xf32, #tpu.memory_space<vmem>>) attributes {dimension_semantics = [#tpu.dimension_semantics<arbitrary>], iteration_bounds = array<i64: 16>, scalar_prefetch = 0 : i64, scratch_operands = 0 : i64, tpu.core_type = #tpu.core_type<tc>, window_params = [{}, {transform_indices = @transform_1, window_bounds = array<i64: 1, 384, 28, 28>}, {transform_indices = @transform_2, window_bounds = array<i64: 1, 384, 28, 28>}]} {
    %get3A = arith.constant 0 : index
    %get3A_0 = arith.constant 0 : index
    %get3A_1 = arith.constant 0 : index
    %get3A_2 = arith.constant 0 : index
    %get3A_3 = vector.load %arg2[%get3A, %get3A_0, %get3A_1, %get3A_2] : memref<1x384x28x28xf32, #tpu.memory_space<vmem>>, vector<1x384x28x28xf32>
    %swap3A = arith.constant 0 : index
    %swap3A_4 = arith.constant 0 : index
    %swap3A_5 = arith.constant 0 : index
    %swap3A_6 = arith.constant 0 : index
    %swap3A_7 = vector.load %arg3[%swap3A, %swap3A_4, %swap3A_5, %swap3A_6] : memref<1x384x28x28xf32, #tpu.memory_space<vmem>>, vector<1x384x28x28xf32>
    tpu.vector_store %arg3[%swap3A, %swap3A_4, %swap3A_5, %swap3A_6], %get3A_3 {strides = array<i32>} : memref<1x384x28x28xf32, #tpu.memory_space<vmem>>, vector<1x384x28x28xf32>,
    return
  }
  func.func @transform_1(%arg0: i32) -> (i32, i32, i32, i32) {
    %c0_i32 = arith.constant 0 : i32
    %c0_i32_0 = arith.constant 0 : i32
    %c0_i32_1 = arith.constant 0 : i32
    %c0_i32_2 = arith.constant 0 : i32
    return %arg0, %c0_i32, %c0_i32_0, %c0_i32_1 : i32, i32, i32, i32
  }
  func.func @transform_2(%arg0: i32) -> (i32, i32, i32, i32) {
    %add3A = arith.constant 16 : i32
    %add3A_0 = arith.addi %arg0, %add3A : i32
    %c0_i32 = arith.constant 0 : i32
    %c0_i32_1 = arith.constant 0 : i32
    %c0_i32_2 = arith.constant 0 : i32
    %c0_i32_3 = arith.constant 0 : i32
    return %add3A_0, %c0_i32, %c0_i32_1, %c0_i32_2 : i32, i32, i32, i32
  }
}

</mosaic_0001>

<sc_bundles>
// kernel: kernel.5.cloned.1.call-start
scs
__scs_entry_jumppad:
0x0: {  	(pc) =	sbr.rel $0x88, $3  }
0x1: {  	(tag) =	ssettag $0x0;
	lr =	simm.s32 $0x1  }
0x2: {  	[smem:$0x3FA0] =	sst lr;
	_ =	strace $0xD0000000  }
0x3: {  	_ = 	snop  }
0x4: {  	_ = 	snop  }
0x5: {  	_ = 	snop  }
0x6: {  	_ = 	snop  }
0x7: {  	_ = 	snop  }
__scs_overlays_trampoline_lowered:
0x8: {  	[smem:$0x3FAF] =	sst s0  }
0x9: {  	[smem:$0x3FB0] =	sst s1  }
0xa: {  	[smem:$0x3FB1] =	sst s2  }
0xb: {  	[smem:$0x3FB2] =	sst s3  }
0xc: {  	[smem:$0x3FB3] =	sst s4  }
0xd: {  	[smem:$0x3FB4] =	sst s5  }
0xe: {  	[smem:$0x3FB5] =	sst s6  }
0xf: {  	[smem:$0x3FB6] =	sst s7  }
0x10: {  	[smem:$0x3FB7] =	sst s8  }
0x11: {  	[smem:$0x3FB8] =	sst s9;
	s0 =	simm.s32 @!p0 $0x0  }
0x12: {  	s1 =	sld [smem:$0x3F9E];
	s0 =	simm.s32 @p0 $0x1  }
0x13: {  	[smem:$0x3FB9] =	sst s0;
	s0 =	simm.s32 @!p1 $0x0  }
0x14: {  	s2 =	sld [smem:$0x3F9D];
	s0 =	simm.s32 @p1 $0x1  }
0x15: {  	[smem:$0x3FBA] =	sst s0;
	s0 =	simm.s32 @!p2 $0x0  }
0x16: {  	s3 =	sld [smem:$0x3FDB];
	s0 =	simm.s32 @p2 $0x1  }
0x17: {  	s4 =	simm.s32 $0x1BF5;
	[smem:$0x3FBC] =	sst s0  }
0x18: {  	s0 =	sld [smem:$0x3F9F];
	_ =	swait.ge [sflag:s4], $0x0  }
0x19: {  	s7 =	sld [smem:$0x3FA0]  }
0x1a: {  	s8 =	sadd.s32 $0xFFFFE003, lr  }
0x1b: {  	s9 =	sadd.s32 $0xFFFFFEF7, lr;
	s5 =	simm.s32 $0xFFFFFFFF;
	p2 =	slt.u32 s8, $0xFFFFF086  }
0x1c: {  	p1 =	slt.u32 s9, $0xF7A;
	s5 =	simm.s32 @!p2 $0x0  }
0x1d: {  	s5 =	simm.s32 @p1 $0x1;
	p0 =	seq.s32 s7, s2  }
0x1e: {  	s7 =	smul.u32 @!p0 $0xF7A, s2;
	p2 =	seq.s32 @!p0 s5, $0x0  }
0x1f: {  	s9 =	smul.u32 $0xF7A, s1;
	s8 =	simm.s32 @!p0 $0x1BF5;
	p2 =	por !p2, p0  }
0x20: {  	[sflag:s8] =	ssyncset.s32 @!p0 $0xFFFFF086;
	s6 =	sadd.s32 @!p0 s3, s7;
	s7 =	simm.s32 @!p0 $0x108  }
0x21: {  	s3 =	sadd.s32 s3, s9;
	s6 =	sadd.s32 @!p0 $0x88, s6;
	s7 =	simm.s32 @p2 $0x1082  }
0x22: {  	[simem:s7], [sflag:s8] =	dma.local @!p0 [hbm:s6], $0xF7A  }
0x23: {  	s9 =	sor.u32 $0xD0000000, s2;
	s6 =	simm.s32 $0x108;
	_ =	swait.ge @!p0 [sflag:s8], $0x0  }
0x24: {  	s3 =	sadd.s32 $0x88, s3;
	s6 =	simm.s32 @!p1 $0x1082;
	[sflag:s4] =	ssyncset.s32 $0xFFFFF086  }
0x25: {  	[simem:s6], [sflag:s4] =	dma.local [hbm:s3], $0xF7A  }
0x26: {  	[smem:$0x3FA0] =	sst s1;
	(tag) =	ssettag s2;
	_ =	strace s9  }
0x27: {  	s1 =	sld [smem:$0x3FB0]  }
0x28: {  	s2 =	sld [smem:$0x3FB1]  }
0x29: {  	s4 =	sld [smem:$0x3FB3]  }
0x2a: {  	p0 =	seq.s32 s5, $0x0;
	s5 =	sld [smem:$0x3FB4]  }
0x2b: {  	s6 =	sld [smem:$0x3FB5]  }
0x2c: {  	s7 =	sld [smem:$0x3FB6]  }
0x2d: {  	s3 =	simm.s32 $0x108;
	s8 =	sld [smem:$0x3FB7]  }
0x2e: {  	s3 =	simm.s32 @!p0 $0x1082;
	s9 =	sld [smem:$0x3FB8]  }
0x2f: {  	lr =	sadd.s32 s0, s3;
	s0 =	sld [smem:$0x3FAF]  }
0x30: {  	s3 =	sld [smem:$0x3FB2]  }
0x31: {  	[smem:$0x3FBB] =	sst s10  }
0x32: {  	s10 =	sld [smem:$0x3FB9];
	_ =	sdelay $0x3  }
0x33: {  	p0 =	seq.s32 s10, $0x1;
	s10 =	sld [smem:$0x3FBB];
	_ =	sdelay $0x3  }
0x34: {  	[smem:$0x3FBB] =	sst s10  }
0x35: {  	s10 =	sld [smem:$0x3FBA];
	_ =	sdelay $0x3  }
0x36: {  	p1 =	seq.s32 s10, $0x1;
	s10 =	sld [smem:$0x3FBB];
	_ =	sdelay $0x3  }
0x37: {  	[smem:$0x3FBB] =	sst s10  }
0x38: {  	s10 =	sld [smem:$0x3FBC]  }
0x39: {  	_ = 	snop;
	(pc) =	sbr.ind lr, $3  }
0x3a: {  	_ = 	snop  }
0x3b: {  	_ = 	snop  }
0x3c: {  	p2 =	seq.s32 s10, $0x1;
	s10 =	sld [smem:$0x3FBB]  }
0x3d: {  	_ =	shalt  }
0x3e: {  	_ =	shalt  }
0x3f: {  	_ =	shalt  }
0x40: {  	_ =	shalt  }
0x41: {  	_ =	shalt  }
0x42: {  	_ =	shalt  }
0x43: {  	_ =	shalt  }
0x44: {  	_ =	shalt  }
0x45: {  	_ =	shalt  }
0x46: {  	_ =	shalt  }
0x47: {  	_ =	shalt  }
0x48: {  	_ =	shalt  }
0x49: {  	_ =	shalt  }
0x4a: {  	_ =	shalt  }
0x4b: {  	_ =	shalt  }
0x4c: {  	_ =	shalt  }
0x4d: {  	_ =	shalt  }
0x4e: {  	_ =	shalt  }
0x4f: {  	_ =	shalt  }
0x50: {  	_ =	shalt  }
0x51: {  	_ =	shalt  }
0x52: {  	_ =	shalt  }
0x53: {  	_ =	shalt  }
0x54: {  	_ =	shalt  }
0x55: {  	_ =	shalt  }
0x56: {  	_ =	shalt  }
0x57: {  	_ =	shalt  }
0x58: {  	_ =	shalt  }
0x59: {  	_ =	shalt  }
0x5a: {  	_ =	shalt  }
0x5b: {  	_ =	shalt  }
0x5c: {  	_ =	shalt  }
0x5d: {  	_ =	shalt  }
0x5e: {  	_ =	shalt  }
0x5f: {  	_ =	shalt  }
0x60: {  	_ =	shalt  }
0x61: {  	_ =	shalt  }
0x62: {  	_ =	shalt  }
0x63: {  	_ =	shalt  }
0x64: {  	_ =	shalt  }
0x65: {  	_ =	shalt  }
0x66: {  	_ =	shalt  }
0x67: {  	_ =	shalt  }
0x68: {  	_ =	shalt  }
0x69: {  	_ =	shalt  }
0x6a: {  	_ =	shalt  }
0x6b: {  	_ =	shalt  }
0x6c: {  	_ =	shalt  }
0x6d: {  	_ =	shalt  }
0x6e: {  	_ =	shalt  }
0x6f: {  	_ =	shalt  }
0x70: {  	_ =	shalt  }
0x71: {  	_ =	shalt  }
0x72: {  	_ =	shalt  }
0x73: {  	_ =	shalt  }
0x74: {  	_ =	shalt  }
0x75: {  	_ =	shalt  }
0x76: {  	_ =	shalt  }
0x77: {  	_ =	shalt  }
0x78: {  	_ =	shalt  }
0x79: {  	_ =	shalt  }
0x7a: {  	_ =	shalt  }
0x7b: {  	_ =	shalt  }
0x7c: {  	_ =	shalt  }
0x7d: {  	_ =	shalt  }
0x7e: {  	_ =	shalt  }
0x7f: {  	_ =	shalt  }
0x80: {  	_ =	shalt  }
0x81: {  	_ =	shalt  }
0x82: {  	_ =	shalt  }
0x83: {  	_ =	shalt  }
0x84: {  	_ =	shalt  }
0x85: {  	_ =	shalt  }
0x86: {  	_ =	shalt  }
0x87: {  	_ =	shalt  }
.Lfunc_end0:
.L_simem_size_0:
called_computation_lowered:
.L_overlay_start_0:
0x88: {  	s2 =	sld [smem:$0x3FD9]  }
0x89: {  	s3 =	sld [smem:$0x3FFE];
	_ =	sdelay $0x1  }
0x8a: {  	s1 =	srdreg.scid  }
0x8b: {  	s0 =	sand.u32 $0x1, s1  }
0x8c: {  	s17 =	sshll.u32 s0, $0xA;
	s2 =	sadd.s32 s3, s2  }
0x8d: {  	s2 =	sadd.s32 s2, s17  }
0x8e: {  	[smem:$0x3FC7] =	sst s2  }
0x8f: {  	_ = 	snop  }
0x90: {  	s2 =	sld [smem:$0x3FD0];
	(tm) =	ssettm $0x1  }
0x91: {  	s18 =	sld [smem:$0x3FFB];
	_ =	sdelay $0x3  }
0x92: {  	_ =	strace s18  }
0x93: {  	s3 =	sld [smem:$0x3FFC];
	_ =	sdelay $0x3  }
0x94: {  	_ =	strace s3  }
0x95: {  	s3 =	sld [smem:$0x3FFD];
	_ =	sdelay $0x3  }
0x96: {  	_ =	strace s3  }
0x97: {  	_ =	strace $0x8FFFFFFF  }
0x98: {  	s19 =	sld [smem:$0x3FDB];
	_ =	sdelay $0x1  }
0x99: {  	s4 =	simm.s32 $_scs_section_size  }
0x9a: {  	s5 =	simm.s32 $_size__tile_overlayer_lowered;
	s6 =	simm.s32 $_tile_overlayer_lowered  }
0x9b: {  	s22 =	simm.s32 $0x1BFF;
	s21 =	sshll.u32 s6, $0x1;
	s3 =	sadd.s32 s4, s19  }
0x9c: {  	s7 =	simm.s32 $0x0;
	s20 =	sshll.u32 s5, $0x1;
	s5 =	sadd.s32 s21, s3  }
0x9d: {  	[timem:s7], [sflag:s22] =	dma.local [hbm:s5], s20  }
0x9e: {  	_ =	swait.ge [sflag:s22], s20  }
0x9f: {  	s4 =	ssub.s32 $0x0, s20;
	[sflag:s22] =	ssyncset.done $0x0  }
0xa0: {  	[sflag:s22] =	ssyncadd.s32 s4;
	_ =	sdelay $0x1  }
0xa1: {  	s23 =	simm.s32 $0x1B8B  }
0xa2: {  	_ =	swait.ge [sflag:s23], $0x1  }
0xa3: {  	[sflag:s23] =	ssyncset.done $0x0  }
0xa4: {  	s25 =	simm.s32 $0x1B8E;
	s24 =	sld [smem:$0x3FFE];
	[sflag:s23] =	ssyncadd.s32 $0xFFFFFFFF  }
0xa5: {  	s26 =	simm.s32 $execute0_lowered;
	[smem:$0x3FD2] =	sst s25  }
0xa6: {  	s5 =	sshll.u32 s26, $0x1;
	_ =	strace $0x80000046;
	[dreg:$0x1] =	wrdreg $0xFFFFFFFF  }
0xa7: {  	s28 =	simm.s32 $_size_execute0_lowered;
	s3 =	sadd.s32 s3, s5;
	[dreg:$0x0] =	wrdreg $0x0  }
0xa8: {  	s5 =	sshll.u32 s28, $0x1;
	[dreg:$0x2] =	wrdreg s3  }
0xa9: {  	[dreg:$0x3] =	wrdreg s5  }
0xaa: {  	[dreg:$0x4] =	wrdreg $0xC0  }
0xab: {  	_ =	task [dreg:s7], $0x5FFFF  }
0xac: {  	[dreg:$0x1] =	wrdreg $0xFFFFFFFF  }
0xad: {  	[dreg:$0x0] =	wrdreg $0x60  }
0xae: {  	[dreg:$0x2] =	wrdreg s2  }
0xaf: {  	[dreg:$0x3] =	wrdreg s24  }
0xb0: {  	[dreg:$0x4] =	wrdreg $0x9  }
0xb1: {  	_ =	task.clear_ibuf [dreg:s7], $0x5FFFF;
	_ =	strace $0x90000046  }
0xb2: {  	s29 =	simm.s32 $0x9;
	_ =	strace $0x80000048  }
0xb3: {  	_ =	swait.ge [sflag:s29], $0x1  }
0xb4: {  	[sflag:s29] =	ssyncadd.s32 $0xFFFFFFFF  }
0xb5: {  	_ =	strace $0x90000048  }
0xb6: {  	_ =	sfence  }
0xb7: {  	s30 =	sld [smem:$0x0];
	_ =	sdelay $0x2  }
0xb8: {  	s31 =	sshll.u32 s1, $0xD;
	s1 =	sshrl.u32 s1, $0x2  }
0xb9: {  	s3 =	sand.u32 $0x4000, s31;
	s1 =	sadd.s32 s1, s30  }
0xba: {  	s0 =	sor.u32 s3, s0;
	s1 =	sshll.u32 s1, $0x11  }
0xbb: {  	s0 =	sor.u32 s1, s0  }
0xbc: {  	s0 =	sadd.s32 $0x8F2B, s0  }
0xbd: {  	[sflag:s0] =	ssyncadd.remote.s32 $0x1  }
0xbe: {  	_ =	sfence.sel $0xFFFF  }
0xbf: {  	[dreg:$0x0] =	wrdreg $0xFFFFFFFF;
	(pc) =	sbr.abs _section_cstart, $3  }
0xc0: {  	[dreg:$0x1] =	wrdreg $0xFFFFFFFF  }
0xc1: {  	_ =	task.clear_ibuf [dreg:s7], $0x2FFFF;
	_ =	strace $0x9FFFFFFF  }
0xc2: {  	(tm) =	ssettm $0x7FFFFFFF  }
0xc3: {  	_ =	shalt  }
tec
execute0_lowered:
.L_overlay_start_1:
0x0: {  	(tag) =	ssettag $0x1  }
0x1: {  	s1 =	srdreg.scid  }
0x2: {  	s0 =	stileid.u32;
	s3 =	sand.u32 $0x1, s1  }
0x3: {  	s1 =	sor.u32 s3, s0  }
0x4: {  	s15 =	rddreg [dreg:$0x0];
	p1 =	seq.s32 s3, $0x1;
	p0 =	seq.s32 s1, $0x0  }
0x5: {  	s4 =	rddreg [dreg:$0x1];
	s2 =	simm.s32 $0x0;
	p0 =	por !p0, !p1  }
0x6: {  	s23 =	simm.s32 $0xDC80;
	s1 =	simm.s32 $0x1;
	p0 =	por !p0, !p0  }
0x7: {  	s24 =	simm.s32 $0x0;
	s6 =	ssub.s32 $0x2, s3;
	s1 =	simm.s32 @!p0 $0x0  }
0x8: {  	s7 =	smul.u32 $0x9300, s3;
	s29 =	sshrl.u32 s6, $0x1;
	s5 =	ssub.s32 s0, s1  }
0x9: {  	[smem:$0x7FF] =	sst s2;
	s20 =	ssub.s32 s6, s29;
	s5 =	smul.u32 $0x49800, s5  }
0xa: {  	s19 =	sadd.s32 $0x400, s4;
	s3 =	simm.s32 $0x1;
	s20 =	smax.u32 s20, $0x1  }
0xb: {  	s1 =	rddreg [dreg:$0x2];
	_ =	strace $0x80000047;
	s12 =	sadd.s32 s7, s5  }
0xc: {  	s5 =	sadd.s32 $0x12600, s12;
	s30 =	sadd.s32 $0x24C00, s12;
	s8 =	sshrl.u32 s12, $0x3  }
0xd: {  	s7 =	sadd.s32 $0x37200, s12;
	s13 =	sadd.s32 $0x4980, s12;
	s14 =	sadd.s32 $0x16F80, s12  }
0xe: {  	s31 =	sadd.s32 $0x29580, s12;
	s17 =	sadd.s32 $0x3BB80, s12;
	s4 =	sadd.s32 s15, s8  }
0xf: {  	s9 =	sshrl.u32 s5, $0x3;
	s10 =	sshrl.u32 s30, $0x3;
	s11 =	sshrl.u32 s7, $0x3  }
0x10: {  	s8 =	sadd.s32 s19, s8;
	s16 =	sshrl.u32 s13, $0x3;
	s18 =	sshrl.u32 s14, $0x3  }
0x11: {  	s21 =	sshrl.u32 s31, $0x3;
	s22 =	sshrl.u32 s17, $0x3;
	s5 =	sadd.s32 s15, s9  }
0x12: {  	s6 =	sadd.s32 s15, s10;
	s7 =	sadd.s32 s15, s11;
	s9 =	sadd.s32 s19, s9  }
0x13: {  	s10 =	sadd.s32 s19, s10;
	s11 =	sadd.s32 s19, s11;
	s12 =	sadd.s32 s15, s16  }
0x14: {  	s13 =	sadd.s32 s15, s18;
	s14 =	sadd.s32 s15, s21;
	s15 =	sadd.s32 s15, s22  }
0x15: {  	s16 =	sadd.s32 s19, s16;
	s17 =	sadd.s32 s19, s18;
	s18 =	sadd.s32 s19, s21  }
0x16: {  	s19 =	sadd.s32 s19, s22;
	s21 =	simm.s32 $0x4980;
	s22 =	simm.s32 $0x9300  }
.LBB2_1:
0x17: {  	[tilespmem:s2], [sflag:$0x1] =	stream.linear.gather [hbm4b:s4+s2], $0x4980, $0x38;
	[tilespmem:$0x12600] =	vst v63  }
0x18: {  	_ = 	snop  }
0x19: {  	[tilespmem:s21], [sflag:$0x1] =	stream.linear.gather [hbm4b:s5+s2], $0x4980, $0x38;
	[tilespmem:$0x12600] =	vst v63  }
0x1a: {  	_ = 	snop  }
0x1b: {  	[tilespmem:s22], [sflag:$0x1] =	stream.linear.gather [hbm4b:s6+s2], $0x4980, $0x38;
	[tilespmem:$0x12600] =	vst v63  }
0x1c: {  	_ = 	snop  }
0x1d: {  	[tilespmem:s23], [sflag:$0x1] =	stream.linear.gather [hbm4b:s7+s2], $0x4980, $0x38;
	[tilespmem:$0x12600] =	vst v63  }
0x1e: {  	_ =	swait.ge [sflag:s3], $0x4980  }
0x1f: {  	[sflag:s3] =	ssyncset.done $0x0  }
0x20: {  	[sflag:s3] =	ssyncadd.s32 $0xFFFFB680  }
0x21: {  	_ =	swait.ge [sflag:s3], $0x4980  }
0x22: {  	[sflag:s3] =	ssyncset.done $0x0  }
0x23: {  	[sflag:s3] =	ssyncadd.s32 $0xFFFFB680  }
0x24: {  	_ =	swait.ge [sflag:s3], $0x4980  }
0x25: {  	[sflag:s3] =	ssyncset.done $0x0  }
0x26: {  	[sflag:s3] =	ssyncadd.s32 $0xFFFFB680  }
0x27: {  	_ =	swait.ge [sflag:s3], $0x4980  }
0x28: {  	[sflag:s3] =	ssyncset.done $0x0  }
0x29: {  	s25 =	simm.s32 $0x0;
	[sflag:s3] =	ssyncadd.s32 $0xFFFFB680  }
0x2a: {  	v0 =	vld [tilespmem:s25+$0xDC80]  }
0x2b: {  	v1 =	vld [tilespmem:s25+$0x0]  }
0x2c: {  	v2 =	vld [tilespmem:s25+$0x4980]  }
0x2d: {  	s26 =	simm.s32 $0x40;
	v3 =	vld [tilespmem:s25+$0x9300]  }
.LBB2_2:
0x2e: {  	_ =	sdelay $0x3  }
0x2f: {  	p0 =	sne.s32 s26, $0x125C0;
	s28 =	smov.u32 s26;
	s26 =	sadd.s32 $0x40, s26;
	v4 =	vmin.f32 v1, v2;
	v1 =	vmax.f32 v1, v2;
	v2 =	vmin.f32 v3, v0  }
0x30: {  	v0 =	vmax.f32 v3, v0;
	v3 =	vmax.f32 v4, v2;
	v2 =	vmin.f32 v4, v2  }
.Ltmp0:
0x31: {  	s28 =	sshra.s32 s28, $0x2;
	v4 =	vmin.f32 v1, v0;
	v1 =	vmax.f32 v1, v0;
	[tilespmem:s25+$0xDC80] =	vst v2;
	(pc) =	sbr.rel @p0 .LBB2_2-.Ltmp0, $4  }
0x32: {  	v2 =	vmax.f32 v4, v3;
	v3 =	vmin.f32 v4, v3;
	v0 =	vld [tilespmem:s28+$0xDC80];
	[tilespmem:s25+$0x0] =	vst v1  }
0x33: {  	v1 =	vld [tilespmem:s28+$0x0];
	[tilespmem:s25+$0x4980] =	vst v2  }
0x34: {  	v2 =	vld [tilespmem:s28+$0x4980];
	[tilespmem:s25+$0x9300] =	vst v3;
	s25 =	smov.u32 s28  }
0x35: {  	v3 =	vld [tilespmem:s25+$0x9300]  }
0x36: {  	_ =	sdelay $0x3  }
0x37: {  	v4 =	vmin.f32 v1, v2;
	v5 =	vmin.f32 v3, v0  }
0x38: {  	v1 =	vmax.f32 v1, v2;
	v0 =	vmax.f32 v3, v0;
	v2 =	vmin.f32 v4, v5  }
0x39: {  	v3 =	vmax.f32 v4, v5;
	v4 =	vmin.f32 v1, v0;
	v0 =	vmax.f32 v1, v0;
	[tilespmem:s25+$0xDC80] =	vst v2  }
0x3a: {  	v1 =	vmax.f32 v4, v3;
	[tilespmem:s25+$0x0] =	vst v0  }
0x3b: {  	v0 =	vmin.f32 v4, v3;
	[tilespmem:s25+$0x4980] =	vst v1  }
0x3c: {  	s31 =	simm.s32 $0x0;
	[tilespmem:s25+$0x9300] =	vst v0  }
0x3d: {  	[hbm4b:s8+s31] =	stream.linear.scatter [tilespmem:s31], [sflag:$0x1], $0x4980, $0x38;
	[tilespmem:$0x12600] =	vst v63  }
0x3e: {  	_ = 	snop  }
0x3f: {  	[hbm4b:s9+s31] =	stream.linear.scatter [tilespmem:s21], [sflag:$0x1], $0x4980, $0x38;
	[tilespmem:$0x12600] =	vst v63  }
0x40: {  	_ = 	snop  }
0x41: {  	[hbm4b:s10+s31] =	stream.linear.scatter [tilespmem:s22], [sflag:$0x1], $0x4980, $0x38;
	[tilespmem:$0x12600] =	vst v63  }
0x42: {  	_ = 	snop  }
0x43: {  	[hbm4b:s11+s31] =	stream.linear.scatter [tilespmem:s23], [sflag:$0x1], $0x4980, $0x38;
	[tilespmem:$0x12600] =	vst v63  }
0x44: {  	_ =	swait.ge [sflag:s3], $0x4980  }
0x45: {  	[sflag:s3] =	ssyncset.done $0x0  }
0x46: {  	[sflag:s3] =	ssyncadd.s32 $0xFFFFB680  }
0x47: {  	_ =	swait.ge [sflag:s3], $0x4980  }
0x48: {  	[sflag:s3] =	ssyncset.done $0x0  }
0x49: {  	[sflag:s3] =	ssyncadd.s32 $0xFFFFB680  }
0x4a: {  	_ =	swait.ge [sflag:s3], $0x4980  }
0x4b: {  	[sflag:s3] =	ssyncset.done $0x0  }
0x4c: {  	[sflag:s3] =	ssyncadd.s32 $0xFFFFB680  }
0x4d: {  	_ =	swait.ge [sflag:s3], $0x4980  }
0x4e: {  	[sflag:s3] =	ssyncset.done $0x0  }
0x4f: {  	[sflag:s3] =	ssyncadd.s32 $0xFFFFB680  }
0x50: {  	[tilespmem:s31], [sflag:$0x1] =	stream.linear.gather [hbm4b:s12+s31], $0x4980, $0x38;
	[tilespmem:$0x12600] =	vst v63  }
0x51: {  	_ = 	snop  }
0x52: {  	[tilespmem:s21], [sflag:$0x1] =	stream.linear.gather [hbm4b:s13+s31], $0x4980, $0x38;
	[tilespmem:$0x12600] =	vst v63  }
0x53: {  	_ = 	snop  }
0x54: {  	[tilespmem:s22], [sflag:$0x1] =	stream.linear.gather [hbm4b:s14+s31], $0x4980, $0x38;
	[tilespmem:$0x12600] =	vst v63  }
0x55: {  	_ = 	snop  }
0x56: {  	[tilespmem:s23], [sflag:$0x1] =	stream.linear.gather [hbm4b:s15+s31], $0x4980, $0x38;
	[tilespmem:$0x12600] =	vst v63  }
0x57: {  	_ =	swait.ge [sflag:s3], $0x4980  }
0x58: {  	[sflag:s3] =	ssyncset.done $0x0  }
0x59: {  	[sflag:s3] =	ssyncadd.s32 $0xFFFFB680  }
0x5a: {  	_ =	swait.ge [sflag:s3], $0x4980  }
0x5b: {  	[sflag:s3] =	ssyncset.done $0x0  }
0x5c: {  	[sflag:s3] =	ssyncadd.s32 $0xFFFFB680  }
0x5d: {  	_ =	swait.ge [sflag:s3], $0x4980  }
0x5e: {  	[sflag:s3] =	ssyncset.done $0x0  }
0x5f: {  	[sflag:s3] =	ssyncadd.s32 $0xFFFFB680  }
0x60: {  	_ =	swait.ge [sflag:s3], $0x4980  }
0x61: {  	[sflag:s3] =	ssyncset.done $0x0  }
0x62: {  	s25 =	simm.s32 $0x0;
	[sflag:s3] =	ssyncadd.s32 $0xFFFFB680  }
0x63: {  	v0 =	vld [tilespmem:s25+$0xDC80]  }
0x64: {  	v1 =	vld [tilespmem:s25+$0x0]  }
0x65: {  	v2 =	vld [tilespmem:s25+$0x4980]  }
0x66: {  	s26 =	simm.s32 $0x40;
	v3 =	vld [tilespmem:s25+$0x9300]  }
.LBB2_4:
0x67: {  	_ =	sdelay $0x3  }
0x68: {  	p0 =	sne.s32 s26, $0x125C0;
	s28 =	smov.u32 s26;
	s26 =	sadd.s32 $0x40, s26;
	v4 =	vmin.f32 v1, v2;
	v1 =	vmax.f32 v1, v2;
	v2 =	vmin.f32 v3, v0  }
0x69: {  	v0 =	vmax.f32 v3, v0;
	v3 =	vmax.f32 v4, v2;
	v2 =	vmin.f32 v4, v2  }
.Ltmp1:
0x6a: {  	s28 =	sshra.s32 s28, $0x2;
	v4 =	vmin.f32 v1, v0;
	v1 =	vmax.f32 v1, v0;
	[tilespmem:s25+$0xDC80] =	vst v2;
	(pc) =	sbr.rel @p0 .LBB2_4-.Ltmp1, $4  }
0x6b: {  	v2 =	vmax.f32 v4, v3;
	v3 =	vmin.f32 v4, v3;
	v0 =	vld [tilespmem:s28+$0xDC80];
	[tilespmem:s25+$0x0] =	vst v1  }
0x6c: {  	v1 =	vld [tilespmem:s28+$0x0];
	[tilespmem:s25+$0x4980] =	vst v2  }
0x6d: {  	v2 =	vld [tilespmem:s28+$0x4980];
	[tilespmem:s25+$0x9300] =	vst v3;
	s25 =	smov.u32 s28  }
0x6e: {  	v3 =	vld [tilespmem:s25+$0x9300]  }
0x6f: {  	_ =	sdelay $0x3  }
0x70: {  	v4 =	vmin.f32 v1, v2;
	v5 =	vmin.f32 v3, v0  }
0x71: {  	v57 =	vmax.f32 v1, v2;
	v58 =	vmax.f32 v3, v0;
	v59 =	vmin.f32 v4, v5  }
0x72: {  	v60 =	vmax.f32 v4, v5;
	v61 =	vmin.f32 v57, v58;
	v0 =	vmax.f32 v57, v58;
	[tilespmem:s25+$0xDC80] =	vst v59  }
0x73: {  	v62 =	vmax.f32 v61, v60;
	[tilespmem:s25+$0x0] =	vst v0  }
0x74: {  	v63 =	vmin.f32 v61, v60;
	[tilespmem:s25+$0x4980] =	vst v62  }
0x75: {  	[tilespmem:s25+$0x9300] =	vst v63  }
0x76: {  	[hbm4b:s16+s2] =	stream.linear.scatter [tilespmem:s2], [sflag:$0x1], $0x4980, $0x38;
	[tilespmem:$0x12600] =	vst v63  }
0x77: {  	_ = 	snop  }
0x78: {  	[hbm4b:s17+s2] =	stream.linear.scatter [tilespmem:s21], [sflag:$0x1], $0x4980, $0x38;
	[tilespmem:$0x12600] =	vst v63  }
0x79: {  	_ = 	snop  }
0x7a: {  	[hbm4b:s18+s2] =	stream.linear.scatter [tilespmem:s22], [sflag:$0x1], $0x4980, $0x38;
	[tilespmem:$0x12600] =	vst v63  }
0x7b: {  	_ = 	snop  }
0x7c: {  	[hbm4b:s19+s2] =	stream.linear.scatter [tilespmem:s23], [sflag:$0x1], $0x4980, $0x38;
	[tilespmem:$0x12600] =	vst v63  }
0x7d: {  	_ =	swait.ge [sflag:s3], $0x4980  }
0x7e: {  	[sflag:s3] =	ssyncset.done $0x0  }
0x7f: {  	[sflag:s3] =	ssyncadd.s32 $0xFFFFB680  }
0x80: {  	_ =	swait.ge [sflag:s3], $0x4980  }
0x81: {  	[sflag:s3] =	ssyncset.done $0x0  }
0x82: {  	s24 =	sadd.s32 $0x1, s24;
	[sflag:s3] =	ssyncadd.s32 $0xFFFFB680  }
0x83: {  	p0 =	sne.s32 s24, s20;
	_ =	swait.ge [sflag:s3], $0x4980  }
.Ltmp2:
0x84: {  	[sflag:s3] =	ssyncset.done $0x0;
	(pc) =	sbr.rel @p0 .LBB2_1-.Ltmp2, $4  }
0x85: {  	[sflag:s3] =	ssyncadd.s32 $0xFFFFB680  }
0x86: {  	_ =	swait.ge [sflag:s3], $0x4980  }
0x87: {  	[sflag:s3] =	ssyncset.done $0x0  }
0x88: {  	[sflag:s3] =	ssyncadd.s32 $0xFFFFB680  }
0x89: {  	_ =	sfence.sel $0x180000  }
0x8a: {  	[bflag:$0x0] =	sbarrier.arrive $0xFFFF  }
0x8b: {  	p0 =	sne.s32 s0, $0x0;
	_ =	strace $0x90000047  }
0x8c: {  	s0 =	sadd.s32 @!p0 $0x100000, s1;
	[bflag:$0x2] =	sbarrier.arrive $0xFFFF  }
0x8d: {  	[sflag:s0] =	ssyncadd.tile.s32 @!p0 $0x1;
	_ =	shalt  }
.Lfunc_end2:
_tile_overlayer_lowered:
.L_overlay_start_2:
0x8e: {  	(tag) =	ssettag $0x2  }
0x8f: {  	s0 =	rddreg [dreg:$0x0];
	s2 =	stileid.u32  }
0x90: {  	s1 =	rddreg [dreg:$0x1];
	p0 =	sne.s32 s2, $0x0  }
0x91: {  	s3 =	rddreg [dreg:$0x2];
	[bflag:$0x3] =	sbarrier.arrive $0xFFFF;
	s2 =	simm.s32 @!p0 $0x1C02  }
0x92: {  	[timem:s3], [sflag:s2] =	dma.local @!p0 [hbm:s0], s1  }
0x93: {  	s0 =	simm.s32 @!p0 $0x2  }
0x94: {  	_ =	swait.ge @!p0 [sflag:s0], s1  }
0x95: {  	s1 =	ssub.s32 @!p0 $0x0, s1;
	[sflag:s0] =	ssyncset.done @!p0 $0x0  }
0x96: {  	[sflag:s0] =	ssyncadd.s32 @!p0 s1  }
0x97: {  	[bflag:$0x3] =	sbarrier.arrive $0xFFFF  }
0x98: {  	_ =	shalt  }

</sc_bundles>
